<compile_context>
chip_gen: v7x
topology: tpu7x:2x2x1
jax: 0.10.2.dev20260603
libtpu: 0.0.44.dev20260713+nightly
codegen_flags: <defaults>
</compile_context>

<pallas_src>
import functools

import jax
import jax.numpy as jnp
from jax import lax
from jax.experimental import pallas as pl
from jax.experimental.pallas import tpu as pltpu
from jax.experimental.pallas import tpu_sc as plsc

N = 8388608
K = 32
NC = 2
NS = 16
L = 16
NW = NC * NS
PER_W = N // NW
CHUNK = 16384
NCHUNK = PER_W // CHUNK

_mesh = plsc.VectorSubcoreMesh(
    core_axis_name="c", subcore_axis_name="s", num_cores=NC, num_subcores=NS
)


@functools.partial(
    pl.kernel,
    out_type=jax.ShapeDtypeStruct((N,), jnp.float32),
    mesh=_mesh,
    compiler_params=pltpu.CompilerParams(
        needs_layout_passes=False,
        disable_bounds_checks=True,
        disable_semaphore_checks=True,
        skip_device_barrier=True,
    ),
    scratch_types=[
        pltpu.VMEM((K,), jnp.float32),
        pltpu.VMEM((K,), jnp.float32),
        pltpu.VMEM((K,), jnp.float32),
        pltpu.VMEM((CHUNK,), jnp.float32),
        pltpu.VMEM((CHUNK,), jnp.float32),
        pltpu.VMEM((CHUNK,), jnp.float32),
        pltpu.VMEM((CHUNK,), jnp.float32),
        pltpu.SemaphoreType.DMA,
        pltpu.SemaphoreType.DMA,
        pltpu.SemaphoreType.DMA,
        pltpu.SemaphoreType.DMA,
        pltpu.SemaphoreType.DMA,
    ],
)
def _pw_kernel(x_hbm, bp_hbm, sl_hbm, ic_hbm, out_hbm, bp_v, sl_v, ic_v,
               xb0, xb1, yb0, yb1, sx0, sx1, sy0, sy1, st):
    wid = lax.axis_index("s") * NC + lax.axis_index("c")
    base = wid * PER_W
    xbs, ybs, sxs, sys_ = (xb0, xb1), (yb0, yb1), (sx0, sx1), (sy0, sy1)

    pltpu.async_copy(x_hbm.at[pl.ds(base, CHUNK)], xb0, sx0)
    pltpu.async_copy(x_hbm.at[pl.ds(base + CHUNK, CHUNK)], xb1, sx1)

    pltpu.async_copy(bp_hbm, bp_v, st)
    pltpu.async_copy(sl_hbm, sl_v, st)
    pltpu.async_copy(ic_hbm, ic_v, st)
    pltpu.make_async_copy(bp_hbm, bp_v, st).wait()
    pltpu.make_async_copy(sl_hbm, sl_v, st).wait()
    pltpu.make_async_copy(ic_hbm, ic_v, st).wait()

    one_i = jnp.ones((L,), jnp.int32)
    two_i = jnp.full((L,), 2, jnp.int32)
    b1 = plsc.load_gather(bp_v, [one_i])
    b2 = plsc.load_gather(bp_v, [two_i])
    step = b2 - b1
    inv_step = 1.0 / step
    bias = (step - b1) * inv_step
    hi = jnp.full((L,), float(K - 1), jnp.float32)
    lo = jnp.zeros((L,), jnp.float32)

    def pair_body(pi, carry):
        for b in range(2):
            ci = pi * 2 + b
            off = base + ci * CHUNK
            pltpu.make_async_copy(x_hbm.at[pl.ds(off, CHUNK)], xbs[b], sxs[b]).wait()

            @pl.when(ci >= 2)
            def _():
                poff = base + (ci - 2) * CHUNK
                pltpu.make_async_copy(
                    ybs[b], out_hbm.at[pl.ds(poff, CHUNK)], sys_[b]).wait()

            xb, yb = xbs[b], ybs[b]

            @plsc.parallel_loop(0, CHUNK, step=L, unroll=8)
            def _inner(vi):
                xv = xb[pl.ds(vi, L)]
                t = xv * inv_step + bias
                t = jnp.minimum(jnp.maximum(t, lo), hi)
                seg = t.astype(jnp.int32)
                slv = plsc.load_gather(sl_v, [seg])
                icv = plsc.load_gather(ic_v, [seg])
                yb[pl.ds(vi, L)] = xv * slv + icv

            pltpu.async_copy(yb, out_hbm.at[pl.ds(off, CHUNK)], sys_[b])

            @pl.when(ci + 2 < NCHUNK)
            def _():
                noff = base + (ci + 2) * CHUNK
                pltpu.async_copy(x_hbm.at[pl.ds(noff, CHUNK)], xbs[b], sxs[b])
        return carry

    lax.fori_loop(0, NCHUNK // 2, pair_body, 0)

    for b in range(2):
        off = base + (NCHUNK - 2 + b) * CHUNK
        pltpu.make_async_copy(ybs[b], out_hbm.at[pl.ds(off, CHUNK)], sys_[b]).wait()


def kernel(x, breakpoints, slopes, intercepts):
    assert x.shape == (N,) and breakpoints.shape == (K,)
    return _pw_kernel(x, breakpoints, slopes, intercepts)

# --- scband reference (transcript-rebuilt; emitter-appended) ---
"""Pipeline reference for scband-piecewise-model-9019431321965 (READ-ONLY COPY).

The authoritative reference and input builder live on the scoring server;
editing this copy changes nothing except your own understanding.
"""

import jax, jax.numpy as jnp
import numpy as np

N = 8388608
K = 32

def setup_inputs(seed: int = 0) -> dict:
    key = jax.random.key(seed)
    x = jax.random.normal(key, (N,), dtype=jnp.float32)
    breakpoints = (-4.0 + jnp.arange(K, dtype=jnp.float32) * 0.25).astype(jnp.float32)
    slopes = (-1.0 + jnp.arange(K, dtype=jnp.float32) * 0.0625).astype(jnp.float32)
    intercepts = (0.5 - jnp.arange(K, dtype=jnp.float32) * 0.03125).astype(jnp.float32)
    return {"x": x, "breakpoints": breakpoints, "slopes": slopes, "intercepts": intercepts}

def reference(x, breakpoints, slopes, intercepts):
    # segment = (x.unsqueeze(1) >= bp.unsqueeze(0)).sum(dim=1) - 1
    ge = (x[:, None] >= breakpoints[None, :]).astype(jnp.int32)
    segment = ge.sum(axis=1) - 1
    segment = jnp.clip(segment, 0, slopes.shape[0] - 1)
    slope = jnp.take(slopes, segment, axis=0)
    intercept = jnp.take(intercepts, segment, axis=0)
    return slope * x + intercept

if __name__ == "__main__":
    import jax
    _d = setup_inputs()
    print(jax.jit(kernel)(*tuple(_d.values())))

</pallas_src>

<mosaic_0001>
#map = affine_map<(d0, d1) -> (0)>
module attributes {stable_mosaic.version = 14 : i64} {
  func.func @_pw_kernel(%arg0: i32, %arg1: i32, %arg2: memref<8388608xf32, #tpu.memory_space<hbm>>, %arg3: memref<32xf32, #tpu.memory_space<hbm>>, %arg4: memref<32xf32, #tpu.memory_space<hbm>>, %arg5: memref<32xf32, #tpu.memory_space<hbm>>, %arg6: memref<8388608xf32, #tpu.memory_space<hbm>>, %arg7: memref<32xf32, #tpu.memory_space<vmem>>, %arg8: memref<32xf32, #tpu.memory_space<vmem>>, %arg9: memref<32xf32, #tpu.memory_space<vmem>>, %arg10: memref<16384xf32, #tpu.memory_space<vmem>>, %arg11: memref<16384xf32, #tpu.memory_space<vmem>>, %arg12: memref<16384xf32, #tpu.memory_space<vmem>>, %arg13: memref<16384xf32, #tpu.memory_space<vmem>>, %arg14: memref<!tpu.dma_semaphore, #tpu.memory_space<semaphore_mem>>, %arg15: memref<!tpu.dma_semaphore, #tpu.memory_space<semaphore_mem>>, %arg16: memref<!tpu.dma_semaphore, #tpu.memory_space<semaphore_mem>>, %arg17: memref<!tpu.dma_semaphore, #tpu.memory_space<semaphore_mem>>, %arg18: memref<!tpu.dma_semaphore, #tpu.memory_space<semaphore_mem>>) attributes {dimension_semantics = [#tpu.dimension_semantics<core_parallel>, #tpu.dimension_semantics<subcore_parallel>], iteration_bounds = array<i64: 2, 16>, scalar_prefetch = 0 : i64, scratch_operands = 12 : i64, tpu.core_type = #tpu.core_type<sc_vector_subcore>, window_params = [{transform_indices = #map}, {transform_indices = #map}, {transform_indices = #map}, {transform_indices = #map}, {transform_indices = #map}]} {
    %mul3A = arith.constant 2 : i32
    %mul3A_0 = arith.muli %arg1, %mul3A : i32
    %add3A = arith.addi %mul3A_0, %arg0 : i32
    %mul3A_1 = arith.constant 262144 : i32
    %mul3A_2 = arith.muli %add3A, %mul3A_1 : i32
    %dma_start3A = tpu.memref_slice %arg2[%mul3A_2] : memref<8388608xf32, #tpu.memory_space<hbm>> -> memref<16384xf32, #tpu.memory_space<hbm>>
    %dma_start3A_3 = tpu.memref_slice %arg2[%mul3A_2] : memref<8388608xf32, #tpu.memory_space<hbm>> -> memref<16384xf32, #tpu.memory_space<hbm>>
    tpu.enqueue_dma source(%dma_start3A_3 : memref<16384xf32, #tpu.memory_space<hbm>>) target(%arg10 : memref<16384xf32, #tpu.memory_space<vmem>>) target_semaphore(%arg14 : memref<!tpu.dma_semaphore, #tpu.memory_space<semaphore_mem>>)
    %add3A_4 = arith.constant 16384 : i32
    %add3A_5 = arith.addi %mul3A_2, %add3A_4 : i32
    %dma_start3A_6 = tpu.memref_slice %arg2[%add3A_5] : memref<8388608xf32, #tpu.memory_space<hbm>> -> memref<16384xf32, #tpu.memory_space<hbm>>
    %dma_start3A_7 = tpu.memref_slice %arg2[%add3A_5] : memref<8388608xf32, #tpu.memory_space<hbm>> -> memref<16384xf32, #tpu.memory_space<hbm>>
    tpu.enqueue_dma source(%dma_start3A_7 : memref<16384xf32, #tpu.memory_space<hbm>>) target(%arg11 : memref<16384xf32, #tpu.memory_space<vmem>>) target_semaphore(%arg15 : memref<!tpu.dma_semaphore, #tpu.memory_space<semaphore_mem>>)
    tpu.enqueue_dma source(%arg3 : memref<32xf32, #tpu.memory_space<hbm>>) target(%arg7 : memref<32xf32, #tpu.memory_space<vmem>>) target_semaphore(%arg18 : memref<!tpu.dma_semaphore, #tpu.memory_space<semaphore_mem>>)
    tpu.enqueue_dma source(%arg4 : memref<32xf32, #tpu.memory_space<hbm>>) target(%arg8 : memref<32xf32, #tpu.memory_space<vmem>>) target_semaphore(%arg18 : memref<!tpu.dma_semaphore, #tpu.memory_space<semaphore_mem>>)
    tpu.enqueue_dma source(%arg5 : memref<32xf32, #tpu.memory_space<hbm>>) target(%arg9 : memref<32xf32, #tpu.memory_space<vmem>>) target_semaphore(%arg18 : memref<!tpu.dma_semaphore, #tpu.memory_space<semaphore_mem>>)
    tpu.wait_dma2 semaphore(%arg18 : memref<!tpu.dma_semaphore, #tpu.memory_space<semaphore_mem>>) src(%arg3 : memref<32xf32, #tpu.memory_space<hbm>>) dst(%arg7 : memref<32xf32, #tpu.memory_space<vmem>>)
    tpu.wait_dma2 semaphore(%arg18 : memref<!tpu.dma_semaphore, #tpu.memory_space<semaphore_mem>>) src(%arg4 : memref<32xf32, #tpu.memory_space<hbm>>) dst(%arg8 : memref<32xf32, #tpu.memory_space<vmem>>)
    tpu.wait_dma2 semaphore(%arg18 : memref<!tpu.dma_semaphore, #tpu.memory_space<semaphore_mem>>) src(%arg5 : memref<32xf32, #tpu.memory_space<hbm>>) dst(%arg9 : memref<32xf32, #tpu.memory_space<vmem>>)
    %broadcast_in_dim3A = arith.constant 1 : i32
    %broadcast_in_dim3A_8 = vector.broadcast %broadcast_in_dim3A : i32 to vector<16xi32>
    %broadcast_in_dim3A_9 = arith.constant 2 : i32
    %broadcast_in_dim3A_10 = vector.broadcast %broadcast_in_dim3A_9 : i32 to vector<16xi32>
    %gather3A = tpu.vector_load_idx %arg7[%broadcast_in_dim3A_8] : memref<32xf32, #tpu.memory_space<vmem>>[vector<16xi32>], vector<16xf32>,
    %gather3A_11 = tpu.vector_load_idx %arg7[%broadcast_in_dim3A_10] : memref<32xf32, #tpu.memory_space<vmem>>[vector<16xi32>], vector<16xf32>,
    %sub3A = arith.subf %gather3A_11, %gather3A : vector<16xf32>
    %div3A = arith.constant 1.000000e+00 : f32
    %div3A_12 = vector.broadcast %div3A : f32 to vector<16xf32>
    %div3A_13 = arith.divf %div3A_12, %sub3A : vector<16xf32>
    %sub3A_14 = arith.subf %sub3A, %gather3A : vector<16xf32>
    %mul3A_15 = arith.mulf %sub3A_14, %div3A_13 : vector<16xf32>
    %broadcast_in_dim3A_16 = arith.constant 3.100000e+01 : f32
    %broadcast_in_dim3A_17 = vector.broadcast %broadcast_in_dim3A_16 : f32 to vector<16xf32>
    %broadcast_in_dim3A_18 = arith.constant 0.000000e+00 : f32
    %broadcast_in_dim3A_19 = vector.broadcast %broadcast_in_dim3A_18 : f32 to vector<16xf32>
    %scan3A = arith.constant 0 : i32
    %scan3A_20 = arith.constant 0 : i32
    %scan3A_21 = arith.constant 8 : i32
    %scan3A_22 = arith.addi %scan3A_20, %scan3A_21 : i32
    %scan3A_23 = arith.constant 1 : i32
    scf.for %scan3A_32 = %scan3A_20 to %scan3A_22 step %scan3A_23  : i32 {
      %mul3A_33 = arith.constant 2 : i32
      %mul3A_34 = arith.muli %scan3A_32, %mul3A_33 : i32
      %add3A_35 = arith.constant 0 : i32
      %add3A_36 = arith.addi %mul3A_34, %add3A_35 : i32
      %mul3A_37 = arith.constant 16384 : i32
      %mul3A_38 = arith.muli %add3A_36, %mul3A_37 : i32
      %add3A_39 = arith.addi %mul3A_2, %mul3A_38 : i32
      %dma_wait3A_40 = tpu.memref_slice %arg2[%add3A_39] : memref<8388608xf32, #tpu.memory_space<hbm>> -> memref<16384xf32, #tpu.memory_space<hbm>>
      %dma_wait3A_41 = tpu.memref_slice %arg2[%add3A_39] : memref<8388608xf32, #tpu.memory_space<hbm>> -> memref<16384xf32, #tpu.memory_space<hbm>>
      tpu.wait_dma2 semaphore(%arg14 : memref<!tpu.dma_semaphore, #tpu.memory_space<semaphore_mem>>) src(%dma_wait3A_41 : memref<16384xf32, #tpu.memory_space<hbm>>) dst(%arg10 : memref<16384xf32, #tpu.memory_space<vmem>>)
      %ge3A = arith.constant 2 : i32
      %ge3A_42 = arith.cmpi sge, %add3A_36, %ge3A : i32
      %convert_element_type3A = arith.extui %ge3A_42 : i1 to i32
      %cond3A = arith.constant 0 : i32
      %cond3A_43 = arith.cmpi ne, %convert_element_type3A, %cond3A : i32
      scf.if %cond3A_43 {
        %sub3A_80 = arith.constant 2 : i32
        %sub3A_81 = arith.subi %add3A_36, %sub3A_80 : i32
        %mul3A_82 = arith.constant 16384 : i32
        %mul3A_83 = arith.muli %sub3A_81, %mul3A_82 : i32
        %add3A_84 = arith.addi %mul3A_2, %mul3A_83 : i32
        %dma_wait3A_85 = tpu.memref_slice %arg6[%add3A_84] : memref<8388608xf32, #tpu.memory_space<hbm>> -> memref<16384xf32, #tpu.memory_space<hbm>>
        %dma_wait3A_86 = tpu.memref_slice %arg6[%add3A_84] : memref<8388608xf32, #tpu.memory_space<hbm>> -> memref<16384xf32, #tpu.memory_space<hbm>>
        tpu.wait_dma2 semaphore(%arg16 : memref<!tpu.dma_semaphore, #tpu.memory_space<semaphore_mem>>) src(%arg12 : memref<16384xf32, #tpu.memory_space<vmem>>) dst(%dma_wait3A_86 : memref<16384xf32, #tpu.memory_space<hbm>>)
      } else {
      }
      %parallel_loop3A = arith.constant 0 : i32
      %parallel_loop3A_44 = arith.constant 16384 : i32
      %parallel_loop3A_45 = arith.constant 16 : i32
      scf.for %parallel_loop3A_80 = %parallel_loop3A to %parallel_loop3A_44 step %parallel_loop3A_45  : i32 {
        %parallel_loop3A_81 = arith.index_cast %parallel_loop3A_80 : i32 to index
        %parallel_loop3A_82 = tpu.vector_load %arg10[%parallel_loop3A_81] {strides = array<i32>} : memref<16384xf32, #tpu.memory_space<vmem>>, vector<16xf32>,
        %parallel_loop3A_83 = arith.mulf %parallel_loop3A_82, %div3A_13 : vector<16xf32>
        %parallel_loop3A_84 = arith.addf %parallel_loop3A_83, %mul3A_15 : vector<16xf32>
        %parallel_loop3A_85 = arith.maximumf %parallel_loop3A_84, %broadcast_in_dim3A_19 : vector<16xf32>
        %parallel_loop3A_86 = arith.minimumf %parallel_loop3A_85, %broadcast_in_dim3A_17 : vector<16xf32>
        %parallel_loop3A_87 = arith.fptosi %parallel_loop3A_86 : vector<16xf32> to vector<16xi32>
        %parallel_loop3A_88 = tpu.vector_load_idx %arg8[%parallel_loop3A_87] : memref<32xf32, #tpu.memory_space<vmem>>[vector<16xi32>], vector<16xf32>,
        %parallel_loop3A_89 = tpu.vector_load_idx %arg9[%parallel_loop3A_87] : memref<32xf32, #tpu.memory_space<vmem>>[vector<16xi32>], vector<16xf32>,
        %parallel_loop3A_90 = arith.mulf %parallel_loop3A_82, %parallel_loop3A_88 : vector<16xf32>
        %parallel_loop3A_91 = arith.addf %parallel_loop3A_90, %parallel_loop3A_89 : vector<16xf32>
        %parallel_loop3A_92 = arith.index_cast %parallel_loop3A_80 : i32 to index
        %parallel_loop3A_93 = tpu.vector_load %arg12[%parallel_loop3A_92] {strides = array<i32>} : memref<16384xf32, #tpu.memory_space<vmem>>, vector<16xf32>,
        tpu.vector_store %arg12[%parallel_loop3A_92], %parallel_loop3A_91 {strides = array<i32>} : memref<16384xf32, #tpu.memory_space<vmem>>, vector<16xf32>,
      } {sc.loop_unroll_factor = 8 : i64, sc.parallel_access}
      %dma_start3A_46 = tpu.memref_slice %arg6[%add3A_39] : memref<8388608xf32, #tpu.memory_space<hbm>> -> memref<16384xf32, #tpu.memory_space<hbm>>
      %dma_start3A_47 = tpu.memref_slice %arg6[%add3A_39] : memref<8388608xf32, #tpu.memory_space<hbm>> -> memref<16384xf32, #tpu.memory_space<hbm>>
      tpu.enqueue_dma source(%arg12 : memref<16384xf32, #tpu.memory_space<vmem>>) target(%dma_start3A_47 : memref<16384xf32, #tpu.memory_space<hbm>>) target_semaphore(%arg16 : memref<!tpu.dma_semaphore, #tpu.memory_space<semaphore_mem>>)
      %add3A_48 = arith.constant 2 : i32
      %add3A_49 = arith.addi %add3A_36, %add3A_48 : i32
      %lt3A = arith.constant 16 : i32
      %lt3A_50 = arith.cmpi slt, %add3A_49, %lt3A : i32
      %convert_element_type3A_51 = arith.extui %lt3A_50 : i1 to i32
      %cond3A_52 = arith.constant 0 : i32
      %cond3A_53 = arith.cmpi ne, %convert_element_type3A_51, %cond3A_52 : i32
      scf.if %cond3A_53 {
        %add3A_80 = arith.constant 2 : i32
        %add3A_81 = arith.addi %add3A_36, %add3A_80 : i32
        %mul3A_82 = arith.constant 16384 : i32
        %mul3A_83 = arith.muli %add3A_81, %mul3A_82 : i32
        %add3A_84 = arith.addi %mul3A_2, %mul3A_83 : i32
        %dma_start3A_85 = tpu.memref_slice %arg2[%add3A_84] : memref<8388608xf32, #tpu.memory_space<hbm>> -> memref<16384xf32, #tpu.memory_space<hbm>>
        %dma_start3A_86 = tpu.memref_slice %arg2[%add3A_84] : memref<8388608xf32, #tpu.memory_space<hbm>> -> memref<16384xf32, #tpu.memory_space<hbm>>
        tpu.enqueue_dma source(%dma_start3A_86 : memref<16384xf32, #tpu.memory_space<hbm>>) target(%arg10 : memref<16384xf32, #tpu.memory_space<vmem>>) target_semaphore(%arg14 : memref<!tpu.dma_semaphore, #tpu.memory_space<semaphore_mem>>)
      } else {
      }
      %mul3A_54 = arith.constant 2 : i32
      %mul3A_55 = arith.muli %scan3A_32, %mul3A_54 : i32
      %add3A_56 = arith.constant 1 : i32
      %add3A_57 = arith.addi %mul3A_55, %add3A_56 : i32
      %mul3A_58 = arith.constant 16384 : i32
      %mul3A_59 = arith.muli %add3A_57, %mul3A_58 : i32
      %add3A_60 = arith.addi %mul3A_2, %mul3A_59 : i32
      %dma_wait3A_61 = tpu.memref_slice %arg2[%add3A_60] : memref<8388608xf32, #tpu.memory_space<hbm>> -> memref<16384xf32, #tpu.memory_space<hbm>>
      %dma_wait3A_62 = tpu.memref_slice %arg2[%add3A_60] : memref<8388608xf32, #tpu.memory_space<hbm>> -> memref<16384xf32, #tpu.memory_space<hbm>>
      tpu.wait_dma2 semaphore(%arg15 : memref<!tpu.dma_semaphore, #tpu.memory_space<semaphore_mem>>) src(%dma_wait3A_62 : memref<16384xf32, #tpu.memory_space<hbm>>) dst(%arg11 : memref<16384xf32, #tpu.memory_space<vmem>>)
      %ge3A_63 = arith.constant 2 : i32
      %ge3A_64 = arith.cmpi sge, %add3A_57, %ge3A_63 : i32
      %convert_element_type3A_65 = arith.extui %ge3A_64 : i1 to i32
      %cond3A_66 = arith.constant 0 : i32
      %cond3A_67 = arith.cmpi ne, %convert_element_type3A_65, %cond3A_66 : i32
      scf.if %cond3A_67 {
        %sub3A_80 = arith.constant 2 : i32
        %sub3A_81 = arith.subi %add3A_57, %sub3A_80 : i32
        %mul3A_82 = arith.constant 16384 : i32
        %mul3A_83 = arith.muli %sub3A_81, %mul3A_82 : i32
        %add3A_84 = arith.addi %mul3A_2, %mul3A_83 : i32
        %dma_wait3A_85 = tpu.memref_slice %arg6[%add3A_84] : memref<8388608xf32, #tpu.memory_space<hbm>> -> memref<16384xf32, #tpu.memory_space<hbm>>
        %dma_wait3A_86 = tpu.memref_slice %arg6[%add3A_84] : memref<8388608xf32, #tpu.memory_space<hbm>> -> memref<16384xf32, #tpu.memory_space<hbm>>
        tpu.wait_dma2 semaphore(%arg17 : memref<!tpu.dma_semaphore, #tpu.memory_space<semaphore_mem>>) src(%arg13 : memref<16384xf32, #tpu.memory_space<vmem>>) dst(%dma_wait3A_86 : memref<16384xf32, #tpu.memory_space<hbm>>)
      } else {
      }
      %parallel_loop3A_68 = arith.constant 0 : i32
      %parallel_loop3A_69 = arith.constant 16384 : i32
      %parallel_loop3A_70 = arith.constant 16 : i32
      scf.for %parallel_loop3A_80 = %parallel_loop3A_68 to %parallel_loop3A_69 step %parallel_loop3A_70  : i32 {
        %parallel_loop3A_81 = arith.index_cast %parallel_loop3A_80 : i32 to index
        %parallel_loop3A_82 = tpu.vector_load %arg11[%parallel_loop3A_81] {strides = array<i32>} : memref<16384xf32, #tpu.memory_space<vmem>>, vector<16xf32>,
        %parallel_loop3A_83 = arith.mulf %parallel_loop3A_82, %div3A_13 : vector<16xf32>
        %parallel_loop3A_84 = arith.addf %parallel_loop3A_83, %mul3A_15 : vector<16xf32>
        %parallel_loop3A_85 = arith.maximumf %parallel_loop3A_84, %broadcast_in_dim3A_19 : vector<16xf32>
        %parallel_loop3A_86 = arith.minimumf %parallel_loop3A_85, %broadcast_in_dim3A_17 : vector<16xf32>
        %parallel_loop3A_87 = arith.fptosi %parallel_loop3A_86 : vector<16xf32> to vector<16xi32>
        %parallel_loop3A_88 = tpu.vector_load_idx %arg8[%parallel_loop3A_87] : memref<32xf32, #tpu.memory_space<vmem>>[vector<16xi32>], vector<16xf32>,
        %parallel_loop3A_89 = tpu.vector_load_idx %arg9[%parallel_loop3A_87] : memref<32xf32, #tpu.memory_space<vmem>>[vector<16xi32>], vector<16xf32>,
        %parallel_loop3A_90 = arith.mulf %parallel_loop3A_82, %parallel_loop3A_88 : vector<16xf32>
        %parallel_loop3A_91 = arith.addf %parallel_loop3A_90, %parallel_loop3A_89 : vector<16xf32>
        %parallel_loop3A_92 = arith.index_cast %parallel_loop3A_80 : i32 to index
        %parallel_loop3A_93 = tpu.vector_load %arg13[%parallel_loop3A_92] {strides = array<i32>} : memref<16384xf32, #tpu.memory_space<vmem>>, vector<16xf32>,
        tpu.vector_store %arg13[%parallel_loop3A_92], %parallel_loop3A_91 {strides = array<i32>} : memref<16384xf32, #tpu.memory_space<vmem>>, vector<16xf32>,
      } {sc.loop_unroll_factor = 8 : i64, sc.parallel_access}
      %dma_start3A_71 = tpu.memref_slice %arg6[%add3A_60] : memref<8388608xf32, #tpu.memory_space<hbm>> -> memref<16384xf32, #tpu.memory_space<hbm>>
      %dma_start3A_72 = tpu.memref_slice %arg6[%add3A_60] : memref<8388608xf32, #tpu.memory_space<hbm>> -> memref<16384xf32, #tpu.memory_space<hbm>>
      tpu.enqueue_dma source(%arg13 : memref<16384xf32, #tpu.memory_space<vmem>>) target(%dma_start3A_72 : memref<16384xf32, #tpu.memory_space<hbm>>) target_semaphore(%arg17 : memref<!tpu.dma_semaphore, #tpu.memory_space<semaphore_mem>>)
      %add3A_73 = arith.constant 2 : i32
      %add3A_74 = arith.addi %add3A_57, %add3A_73 : i32
      %lt3A_75 = arith.constant 16 : i32
      %lt3A_76 = arith.cmpi slt, %add3A_74, %lt3A_75 : i32
      %convert_element_type3A_77 = arith.extui %lt3A_76 : i1 to i32
      %cond3A_78 = arith.constant 0 : i32
      %cond3A_79 = arith.cmpi ne, %convert_element_type3A_77, %cond3A_78 : i32
      scf.if %cond3A_79 {
        %add3A_80 = arith.constant 2 : i32
        %add3A_81 = arith.addi %add3A_57, %add3A_80 : i32
        %mul3A_82 = arith.constant 16384 : i32
        %mul3A_83 = arith.muli %add3A_81, %mul3A_82 : i32
        %add3A_84 = arith.addi %mul3A_2, %mul3A_83 : i32
        %dma_start3A_85 = tpu.memref_slice %arg2[%add3A_84] : memref<8388608xf32, #tpu.memory_space<hbm>> -> memref<16384xf32, #tpu.memory_space<hbm>>
        %dma_start3A_86 = tpu.memref_slice %arg2[%add3A_84] : memref<8388608xf32, #tpu.memory_space<hbm>> -> memref<16384xf32, #tpu.memory_space<hbm>>
        tpu.enqueue_dma source(%dma_start3A_86 : memref<16384xf32, #tpu.memory_space<hbm>>) target(%arg11 : memref<16384xf32, #tpu.memory_space<vmem>>) target_semaphore(%arg15 : memref<!tpu.dma_semaphore, #tpu.memory_space<semaphore_mem>>)
      } else {
      }
    }
    %scan3A_24 = arith.constant 8 : i32
    %add3A_25 = arith.constant 229376 : i32
    %add3A_26 = arith.addi %mul3A_2, %add3A_25 : i32
    %dma_wait3A = tpu.memref_slice %arg6[%add3A_26] : memref<8388608xf32, #tpu.memory_space<hbm>> -> memref<16384xf32, #tpu.memory_space<hbm>>
    %dma_wait3A_27 = tpu.memref_slice %arg6[%add3A_26] : memref<8388608xf32, #tpu.memory_space<hbm>> -> memref<16384xf32, #tpu.memory_space<hbm>>
    tpu.wait_dma2 semaphore(%arg16 : memref<!tpu.dma_semaphore, #tpu.memory_space<semaphore_mem>>) src(%arg12 : memref<16384xf32, #tpu.memory_space<vmem>>) dst(%dma_wait3A_27 : memref<16384xf32, #tpu.memory_space<hbm>>)
    %add3A_28 = arith.constant 245760 : i32
    %add3A_29 = arith.addi %mul3A_2, %add3A_28 : i32
    %dma_wait3A_30 = tpu.memref_slice %arg6[%add3A_29] : memref<8388608xf32, #tpu.memory_space<hbm>> -> memref<16384xf32, #tpu.memory_space<hbm>>
    %dma_wait3A_31 = tpu.memref_slice %arg6[%add3A_29] : memref<8388608xf32, #tpu.memory_space<hbm>> -> memref<16384xf32, #tpu.memory_space<hbm>>
    tpu.wait_dma2 semaphore(%arg17 : memref<!tpu.dma_semaphore, #tpu.memory_space<semaphore_mem>>) src(%arg13 : memref<16384xf32, #tpu.memory_space<vmem>>) dst(%dma_wait3A_31 : memref<16384xf32, #tpu.memory_space<hbm>>)
    return
  }
}

</mosaic_0001>

<sc_bundles>
// kernel: kernel.3.cloned.1.call-start
scs
__scs_entry_jumppad:
0x0: {  	(pc) =	sbr.rel $0x88, $3  }
0x1: {  	(tag) =	ssettag $0x0;
	lr =	simm.s32 $0x1  }
0x2: {  	[smem:$0x3F9D] =	sst lr;
	_ =	strace $0xD0000000  }
0x3: {  	_ = 	snop  }
0x4: {  	_ = 	snop  }
0x5: {  	_ = 	snop  }
0x6: {  	_ = 	snop  }
0x7: {  	_ = 	snop  }
__scs_overlays_trampoline_lowered:
0x8: {  	[smem:$0x3FAC] =	sst s0  }
0x9: {  	[smem:$0x3FAD] =	sst s1  }
0xa: {  	[smem:$0x3FAE] =	sst s2  }
0xb: {  	[smem:$0x3FAF] =	sst s3  }
0xc: {  	[smem:$0x3FB0] =	sst s4  }
0xd: {  	[smem:$0x3FB1] =	sst s5  }
0xe: {  	[smem:$0x3FB2] =	sst s6  }
0xf: {  	[smem:$0x3FB3] =	sst s7  }
0x10: {  	[smem:$0x3FB4] =	sst s8  }
0x11: {  	[smem:$0x3FB5] =	sst s9;
	s0 =	simm.s32 @!p0 $0x0  }
0x12: {  	s1 =	sld [smem:$0x3F9B];
	s0 =	simm.s32 @p0 $0x1  }
0x13: {  	[smem:$0x3FB6] =	sst s0;
	s0 =	simm.s32 @!p1 $0x0  }
0x14: {  	s2 =	sld [smem:$0x3F9A];
	s0 =	simm.s32 @p1 $0x1  }
0x15: {  	[smem:$0x3FB7] =	sst s0;
	s0 =	simm.s32 @!p2 $0x0  }
0x16: {  	s3 =	sld [smem:$0x3FDB];
	s0 =	simm.s32 @p2 $0x1  }
0x17: {  	s4 =	simm.s32 $0x1BF5;
	[smem:$0x3FB9] =	sst s0  }
0x18: {  	s0 =	sld [smem:$0x3F9C];
	_ =	swait.ge [sflag:s4], $0x0  }
0x19: {  	s7 =	sld [smem:$0x3F9D]  }
0x1a: {  	s8 =	sadd.s32 $0xFFFFE003, lr  }
0x1b: {  	s9 =	sadd.s32 $0xFFFFFEF7, lr;
	s5 =	simm.s32 $0xFFFFFFFF;
	p2 =	slt.u32 s8, $0xFFFFF086  }
0x1c: {  	p1 =	slt.u32 s9, $0xF7A;
	s5 =	simm.s32 @!p2 $0x0  }
0x1d: {  	s5 =	simm.s32 @p1 $0x1;
	p0 =	seq.s32 s7, s2  }
0x1e: {  	s7 =	smul.u32 @!p0 $0xF7A, s2;
	p2 =	seq.s32 @!p0 s5, $0x0  }
0x1f: {  	s9 =	smul.u32 $0xF7A, s1;
	s8 =	simm.s32 @!p0 $0x1BF5;
	p2 =	por !p2, p0  }
0x20: {  	[sflag:s8] =	ssyncset.s32 @!p0 $0xFFFFF086;
	s6 =	sadd.s32 @!p0 s3, s7;
	s7 =	simm.s32 @!p0 $0x108  }
0x21: {  	s3 =	sadd.s32 s3, s9;
	s6 =	sadd.s32 @!p0 $0x88, s6;
	s7 =	simm.s32 @p2 $0x1082  }
0x22: {  	[simem:s7], [sflag:s8] =	dma.local @!p0 [hbm:s6], $0xF7A  }
0x23: {  	s9 =	sor.u32 $0xD0000000, s2;
	s6 =	simm.s32 $0x108;
	_ =	swait.ge @!p0 [sflag:s8], $0x0  }
0x24: {  	s3 =	sadd.s32 $0x88, s3;
	s6 =	simm.s32 @!p1 $0x1082;
	[sflag:s4] =	ssyncset.s32 $0xFFFFF086  }
0x25: {  	[simem:s6], [sflag:s4] =	dma.local [hbm:s3], $0xF7A  }
0x26: {  	[smem:$0x3F9D] =	sst s1;
	(tag) =	ssettag s2;
	_ =	strace s9  }
0x27: {  	s1 =	sld [smem:$0x3FAD]  }
0x28: {  	s2 =	sld [smem:$0x3FAE]  }
0x29: {  	s4 =	sld [smem:$0x3FB0]  }
0x2a: {  	p0 =	seq.s32 s5, $0x0;
	s5 =	sld [smem:$0x3FB1]  }
0x2b: {  	s6 =	sld [smem:$0x3FB2]  }
0x2c: {  	s7 =	sld [smem:$0x3FB3]  }
0x2d: {  	s3 =	simm.s32 $0x108;
	s8 =	sld [smem:$0x3FB4]  }
0x2e: {  	s3 =	simm.s32 @!p0 $0x1082;
	s9 =	sld [smem:$0x3FB5]  }
0x2f: {  	lr =	sadd.s32 s0, s3;
	s0 =	sld [smem:$0x3FAC]  }
0x30: {  	s3 =	sld [smem:$0x3FAF]  }
0x31: {  	[smem:$0x3FB8] =	sst s10  }
0x32: {  	s10 =	sld [smem:$0x3FB6];
	_ =	sdelay $0x3  }
0x33: {  	p0 =	seq.s32 s10, $0x1;
	s10 =	sld [smem:$0x3FB8];
	_ =	sdelay $0x3  }
0x34: {  	[smem:$0x3FB8] =	sst s10  }
0x35: {  	s10 =	sld [smem:$0x3FB7];
	_ =	sdelay $0x3  }
0x36: {  	p1 =	seq.s32 s10, $0x1;
	s10 =	sld [smem:$0x3FB8];
	_ =	sdelay $0x3  }
0x37: {  	[smem:$0x3FB8] =	sst s10  }
0x38: {  	s10 =	sld [smem:$0x3FB9]  }
0x39: {  	_ = 	snop;
	(pc) =	sbr.ind lr, $3  }
0x3a: {  	_ = 	snop  }
0x3b: {  	_ = 	snop  }
0x3c: {  	p2 =	seq.s32 s10, $0x1;
	s10 =	sld [smem:$0x3FB8]  }
0x3d: {  	_ =	shalt  }
0x3e: {  	_ =	shalt  }
0x3f: {  	_ =	shalt  }
0x40: {  	_ =	shalt  }
0x41: {  	_ =	shalt  }
0x42: {  	_ =	shalt  }
0x43: {  	_ =	shalt  }
0x44: {  	_ =	shalt  }
0x45: {  	_ =	shalt  }
0x46: {  	_ =	shalt  }
0x47: {  	_ =	shalt  }
0x48: {  	_ =	shalt  }
0x49: {  	_ =	shalt  }
0x4a: {  	_ =	shalt  }
0x4b: {  	_ =	shalt  }
0x4c: {  	_ =	shalt  }
0x4d: {  	_ =	shalt  }
0x4e: {  	_ =	shalt  }
0x4f: {  	_ =	shalt  }
0x50: {  	_ =	shalt  }
0x51: {  	_ =	shalt  }
0x52: {  	_ =	shalt  }
0x53: {  	_ =	shalt  }
0x54: {  	_ =	shalt  }
0x55: {  	_ =	shalt  }
0x56: {  	_ =	shalt  }
0x57: {  	_ =	shalt  }
0x58: {  	_ =	shalt  }
0x59: {  	_ =	shalt  }
0x5a: {  	_ =	shalt  }
0x5b: {  	_ =	shalt  }
0x5c: {  	_ =	shalt  }
0x5d: {  	_ =	shalt  }
0x5e: {  	_ =	shalt  }
0x5f: {  	_ =	shalt  }
0x60: {  	_ =	shalt  }
0x61: {  	_ =	shalt  }
0x62: {  	_ =	shalt  }
0x63: {  	_ =	shalt  }
0x64: {  	_ =	shalt  }
0x65: {  	_ =	shalt  }
0x66: {  	_ =	shalt  }
0x67: {  	_ =	shalt  }
0x68: {  	_ =	shalt  }
0x69: {  	_ =	shalt  }
0x6a: {  	_ =	shalt  }
0x6b: {  	_ =	shalt  }
0x6c: {  	_ =	shalt  }
0x6d: {  	_ =	shalt  }
0x6e: {  	_ =	shalt  }
0x6f: {  	_ =	shalt  }
0x70: {  	_ =	shalt  }
0x71: {  	_ =	shalt  }
0x72: {  	_ =	shalt  }
0x73: {  	_ =	shalt  }
0x74: {  	_ =	shalt  }
0x75: {  	_ =	shalt  }
0x76: {  	_ =	shalt  }
0x77: {  	_ =	shalt  }
0x78: {  	_ =	shalt  }
0x79: {  	_ =	shalt  }
0x7a: {  	_ =	shalt  }
0x7b: {  	_ =	shalt  }
0x7c: {  	_ =	shalt  }
0x7d: {  	_ =	shalt  }
0x7e: {  	_ =	shalt  }
0x7f: {  	_ =	shalt  }
0x80: {  	_ =	shalt  }
0x81: {  	_ =	shalt  }
0x82: {  	_ =	shalt  }
0x83: {  	_ =	shalt  }
0x84: {  	_ =	shalt  }
0x85: {  	_ =	shalt  }
0x86: {  	_ =	shalt  }
0x87: {  	_ =	shalt  }
.Lfunc_end0:
.L_simem_size_0:
called_computation_lowered:
.L_overlay_start_0:
0x88: {  	s2 =	sld [smem:$0x3FD9]  }
0x89: {  	s3 =	sld [smem:$0x3FFE];
	_ =	sdelay $0x1  }
0x8a: {  	s1 =	srdreg.scid  }
0x8b: {  	s0 =	sand.u32 $0x1, s1  }
0x8c: {  	s18 =	sshll.u32 s0, $0xA;
	s2 =	sadd.s32 s3, s2  }
0x8d: {  	s2 =	sadd.s32 s2, s18  }
0x8e: {  	[smem:$0x3FC4] =	sst s2  }
0x8f: {  	_ = 	snop  }
0x90: {  	s2 =	sld [smem:$0x3FC9]  }
0x91: {  	s19 =	sld [smem:$0x3FC8]  }
0x92: {  	s4 =	sld [smem:$0x3FC7]  }
0x93: {  	s5 =	sld [smem:$0x3FC6]  }
0x94: {  	s6 =	sld [smem:$0x3FD0];
	(tm) =	ssettm $0x1  }
0x95: {  	s7 =	sld [smem:$0x3FFB];
	_ =	sdelay $0x3  }
0x96: {  	_ =	strace s7  }
0x97: {  	s7 =	sld [smem:$0x3FFC];
	_ =	sdelay $0x3  }
0x98: {  	_ =	strace s7  }
0x99: {  	s7 =	sld [smem:$0x3FFD];
	_ =	sdelay $0x3  }
0x9a: {  	_ =	strace s7  }
0x9b: {  	_ =	strace $0x8FFFFFFF  }
0x9c: {  	s20 =	sld [smem:$0x3FDB];
	_ =	sdelay $0x1  }
0x9d: {  	s8 =	simm.s32 $_scs_section_size  }
0x9e: {  	s9 =	simm.s32 $_size__tile_overlayer_lowered;
	s10 =	simm.s32 $_tile_overlayer_lowered  }
0x9f: {  	s23 =	simm.s32 $0x1BFF;
	s22 =	sshll.u32 s10, $0x1;
	s7 =	sadd.s32 s8, s20  }
0xa0: {  	s11 =	simm.s32 $0x0;
	s21 =	sshll.u32 s9, $0x1;
	s9 =	sadd.s32 s22, s7  }
0xa1: {  	[timem:s11], [sflag:s23] =	dma.local [hbm:s9], s21  }
0xa2: {  	_ =	swait.ge [sflag:s23], s21  }
0xa3: {  	s8 =	ssub.s32 $0x0, s21;
	[sflag:s23] =	ssyncset.done $0x0  }
0xa4: {  	[sflag:s23] =	ssyncadd.s32 s8;
	_ =	sdelay $0x1  }
0xa5: {  	s24 =	simm.s32 $0x1B8B  }
0xa6: {  	_ =	swait.ge [sflag:s24], $0x1  }
0xa7: {  	[sflag:s24] =	ssyncset.done $0x0  }
0xa8: {  	s25 =	simm.s32 $0x1B8E;
	[sflag:s24] =	ssyncadd.s32 $0xFFFFFFFF  }
0xa9: {  	s26 =	simm.s32 $execute0_lowered;
	[smem:$0x3FD2] =	sst s25  }
0xaa: {  	s8 =	sshll.u32 s26, $0x1;
	_ =	strace $0x80000046;
	[dreg:$0x1] =	wrdreg $0xFFFFFFFF  }
0xab: {  	s28 =	simm.s32 $_size_execute0_lowered;
	s7 =	sadd.s32 s7, s8;
	[dreg:$0x0] =	wrdreg $0x0  }
0xac: {  	s8 =	sshll.u32 s28, $0x1;
	[dreg:$0x2] =	wrdreg s7  }
0xad: {  	[dreg:$0x3] =	wrdreg s8  }
0xae: {  	[dreg:$0x4] =	wrdreg $0xC0  }
0xaf: {  	_ =	task [dreg:s11], $0x5FFFF  }
0xb0: {  	[dreg:$0x1] =	wrdreg $0xFFFFFFFF  }
0xb1: {  	[dreg:$0x0] =	wrdreg $0x60  }
0xb2: {  	[dreg:$0x2] =	wrdreg s2  }
0xb3: {  	[dreg:$0x3] =	wrdreg s19  }
0xb4: {  	[dreg:$0x4] =	wrdreg s4  }
0xb5: {  	[dreg:$0x5] =	wrdreg s5  }
0xb6: {  	[dreg:$0x6] =	wrdreg s6  }
0xb7: {  	[dreg:$0x7] =	wrdreg $0x9  }
0xb8: {  	_ =	task.clear_ibuf [dreg:s11], $0x8FFFF;
	_ =	strace $0x90000046  }
0xb9: {  	s29 =	simm.s32 $0x9;
	_ =	strace $0x80000048  }
0xba: {  	_ =	swait.ge [sflag:s29], $0x1  }
0xbb: {  	[sflag:s29] =	ssyncadd.s32 $0xFFFFFFFF  }
0xbc: {  	_ =	strace $0x90000048  }
0xbd: {  	_ =	sfence  }
0xbe: {  	s30 =	sld [smem:$0x0];
	_ =	sdelay $0x2  }
0xbf: {  	s31 =	sshll.u32 s1, $0xD;
	s1 =	sshrl.u32 s1, $0x2  }
0xc0: {  	s3 =	sand.u32 $0x4000, s31;
	s1 =	sadd.s32 s1, s30  }
0xc1: {  	s0 =	sor.u32 s3, s0;
	s1 =	sshll.u32 s1, $0x11  }
0xc2: {  	s0 =	sor.u32 s1, s0  }
0xc3: {  	s0 =	sadd.s32 $0x8F2B, s0  }
0xc4: {  	[sflag:s0] =	ssyncadd.remote.s32 $0x1  }
0xc5: {  	_ =	sfence.sel $0xFFFF  }
0xc6: {  	[dreg:$0x0] =	wrdreg $0xFFFFFFFF;
	(pc) =	sbr.abs _section_cstart, $3  }
0xc7: {  	[dreg:$0x1] =	wrdreg $0xFFFFFFFF  }
0xc8: {  	_ =	task.clear_ibuf [dreg:s11], $0x2FFFF;
	_ =	strace $0x9FFFFFFF  }
0xc9: {  	(tm) =	ssettm $0x7FFFFFFF  }
tec
execute0_lowered:
.L_overlay_start_1:
0x0: {  	(tag) =	ssettag $0x1  }
0x1: {  	s0 =	rddreg [dreg:$0x0]  }
0x2: {  	s2 =	rddreg [dreg:$0x1]  }
0x3: {  	s3 =	rddreg [dreg:$0x2];
	s1 =	srdreg.scid  }
0x4: {  	s5 =	rddreg [dreg:$0x3];
	s4 =	stileid.u32  }
0x5: {  	s6 =	rddreg [dreg:$0x4];
	s8 =	simm.s32 $0x0;
	s14 =	simm.s32 $0x180  }
0x6: {  	s15 =	simm.s32 $0x4180;
	s16 =	simm.s32 $0x80;
	s17 =	simm.s32 $0x100  }
0x7: {  	s18 =	simm.s32 $0x5;
	s19 =	simm.s32 $0x1;
	s20 =	simm.s32 $0x8180  }
0x8: {  	s21 =	simm.s32 $0x2;
	s22 =	simm.s32 $0x4;
	s23 =	simm.s32 $0xC180  }
0x9: {  	s24 =	simm.s32 $0x3;
	s25 =	simm.s32 $0x0;
	s1 =	sand.u32 $0x1, s1  }
.Ltmp0:
0xa: {  	s4 =	sshll.u32 s4, $0x13;
	s7 =	sshll.u32 s1, $0x12;
	(pc) =	sbr.rel .LBB2_1-.Ltmp0, $4  }
0xb: {  	[smem:$0x7FF] =	sst s8;
	s1 =	ssub.s32 $0x2, s1;
	s7 =	sor.u32 s7, s4  }
0xc: {  	_ =	strace $0x80000047;
	s10 =	sshrl.u32 s1, $0x1;
	s4 =	sshrl.u32 s7, $0x3  }
0xd: {  	s1 =	ssub.s32 s1, s10;
	s11 =	sor.u32 $0x8000, s7;
	s9 =	sadd.s32 s0, s4  }
0xe: {  	v0 =	vimm.s32 $0x1;
	v1 =	vimm.s32 $0x2;
	s12 =	sor.u32 $0xC000, s7;
	s13 =	smax.u32 s1, $0x1;
	s10 =	sadd.s32 $0x800, s9  }
.LBB2_12:
0xf: {  	s25 =	sadd.s32 $0x1, s25  }
0x10: {  	_ =	swait.ge [sflag:s24], $0x4000;
	p0 =	sne.s32 s25, s13  }
.Ltmp1:
0x11: {  	[sflag:s24] =	ssyncset.done $0x0;
	(pc) =	sbr.rel @!p0 .LBB2_13-.Ltmp1, $4  }
0x12: {  	[sflag:s24] =	ssyncadd.s32 $0xFFFFC000  }
0x13: {  	_ =	swait.ge [sflag:s22], $0x4000  }
0x14: {  	[sflag:s22] =	ssyncset.done $0x0  }
0x15: {  	[sflag:s22] =	ssyncadd.s32 $0xFFFFC000  }
.LBB2_1:
0x16: {  	[tilespmem:s14], [sflag:$0x1] =	stream.linear.gather [hbm4b:s9+s8], $0x4000, $0x38;
	[tilespmem:$0x10180] =	vst v63  }
0x17: {  	_ = 	snop  }
0x18: {  	[tilespmem:s15], [sflag:$0x2] =	stream.linear.gather [hbm4b:s10+s8], $0x4000, $0x38;
	[tilespmem:$0x10180] =	vst v63  }
0x19: {  	_ = 	snop  }
0x1a: {  	[tilespmem:s8], [sflag:$0x5] =	stream.linear.gather [hbm4b:s2+s8], $0x80, $0x38;
	[tilespmem:$0x10180] =	vst v63  }
0x1b: {  	_ = 	snop  }
0x1c: {  	[tilespmem:s16], [sflag:$0x5] =	stream.linear.gather [hbm4b:s3+s8], $0x80, $0x38;
	[tilespmem:$0x10180] =	vst v63  }
0x1d: {  	_ = 	snop  }
0x1e: {  	[tilespmem:s17], [sflag:$0x5] =	stream.linear.gather [hbm4b:s5+s8], $0x80, $0x38;
	[tilespmem:$0x10180] =	vst v63  }
0x1f: {  	_ =	swait.ge [sflag:s18], $0x80  }
0x20: {  	[sflag:s18] =	ssyncset.done $0x0  }
0x21: {  	[sflag:s18] =	ssyncadd.s32 $0xFFFFFF80  }
0x22: {  	_ =	swait.ge [sflag:s18], $0x80  }
0x23: {  	[sflag:s18] =	ssyncset.done $0x0  }
0x24: {  	[sflag:s18] =	ssyncadd.s32 $0xFFFFFF80  }
0x25: {  	_ =	swait.ge [sflag:s18], $0x80  }
0x26: {  	[sflag:s18] =	ssyncset.done $0x0  }
0x27: {  	[sflag:s18] =	ssyncadd.s32 $0xFFFFFF80  }
0x28: {  	v2 =	vld.idx.msk [tilespmem:v0+s8+$0x0], $0xffff  }
0x29: {  	v3 =	vld.idx.msk [tilespmem:v1+s8+$0x0], $0xffff;
	_ =	sdelay $0x4  }
0x2a: {  	v3 =	vsub.f32 v3, v2;
	_ =	sdelay $0x1  }
0x2b: {  	(erf) = vrcp.f32 v3;
	_ =	sdelay $0x7  }
0x2c: {  	v3 =	vsub.f32 v3, v2  }
0x2d: {  	v2 =	vpop (erf)  }
0x2e: {  	s26 =	simm.s32 $0x0;
	v3 =	vmul.f32 v2, v3  }
.LBB2_2:
0x2f: {  	_ =	swait.ge [sflag:s19], $0x4000  }
0x30: {  	p0 =	seq.s32 s26, $0x0;
	[sflag:s19] =	ssyncset.done $0x0  }
0x31: {  	s1 =	simm.s32 @!p0 $0x3;
	[sflag:s19] =	ssyncadd.s32 $0xFFFFC000  }
0x32: {  	_ =	swait.ge @!p0 [sflag:s1], $0x4000  }
0x33: {  	[sflag:s1] =	ssyncset.done @!p0 $0x0  }
0x34: {  	s4 =	simm.s32 $0x1C0;
	[sflag:s1] =	ssyncadd.s32 @!p0 $0xFFFFC000  }
0x35: {  	v18 =	vld [tilespmem:s4+$0x30];
	_ =	sdelay $0x1  }
0x36: {  	v4 =	vld [tilespmem:s4+$0xFFFFFFD0]  }
0x37: {  	v5 =	vld [tilespmem:s4+$0xFFFFFFE0]  }
0x38: {  	v13 =	vld [tilespmem:s4+$0xFFFFFFF0]  }
0x39: {  	v15 =	vld [tilespmem:s4+$0x0];
	v6 =	vmul.f32 v18, v2  }
0x3a: {  	v14 =	vld [tilespmem:s4+$0x10]  }
0x3b: {  	v16 =	vld [tilespmem:s4+$0x20];
	v7 =	vadd.f32 v6, v3  }
0x3c: {  	v9 =	vmul.f32 v5, v2  }
0x3d: {  	v8 =	vmul.f32 v4, v2;
	v10 =	vmul.f32 v13, v2;
	v6 =	vld [tilespmem:s4+$0xFFFFFFC0];
	v7 =	vmax.f32 v7, $0.0e+00  }
0x3e: {  	v11 =	vmul.f32 v15, v2;
	v9 =	vadd.f32 v9, v3;
	v7 =	vmin.f32 v7, $3.100000000e+01  }
0x3f: {  	v12 =	vmul.f32 v14, v2;
	v7 =	vtrunc.f32 v7  }
0x40: {  	v19 =	vmul.f32 v16, v2;
	v9 =	vmax.f32 v9, $0.0e+00;
	v7 =	vcvt.f32.s32 v7  }
0x41: {  	v8 =	vadd.f32 v8, v3;
	v10 =	vadd.f32 v10, v3;
	v9 =	vmin.f32 v9, $3.100000000e+01  }
0x42: {  	v11 =	vadd.f32 v11, v3;
	s4 =	simm.s32 $0x240;
	v9 =	vtrunc.f32 v9;
	v17 =	vmul.f32 v6, v2  }
0x43: {  	v12 =	vadd.f32 v12, v3;
	v19 =	vadd.f32 v19, v3;
	v31 =	vcvt.f32.s32 v9;
	v9 =	vld [tilespmem:s4+$0x0]  }
0x44: {  	v8 =	vmax.f32 v8, $0.0e+00;
	v10 =	vmax.f32 v10, $0.0e+00;
	v17 =	vadd.f32 v17, v3  }
0x45: {  	v20 =	vmax.f32 v11, $0.0e+00;
	v21 =	vmax.f32 v12, $0.0e+00;
	v12 =	vld [tilespmem:s4+$0xFFFFFFD0];
	v8 =	vmin.f32 v8, $3.100000000e+01  }
0x46: {  	v19 =	vmax.f32 v19, $0.0e+00;
	v8 =	vtrunc.f32 v8;
	v11 =	vmax.f32 v17, $0.0e+00;
	v22 =	vld.idx.msk [tilespmem:v7+s16+$0x0], $0xffff  }
0x47: {  	v30 =	vcvt.f32.s32 v8;
	v17 =	vmin.f32 v20, $3.100000000e+01;
	v11 =	vmin.f32 v11, $3.100000000e+01;
	v25 =	vld.idx.msk [tilespmem:v7+s17+$0x0], $0xffff  }
0x48: {  	v33 =	vmul.f32 v9, v2;
	v7 =	vmin.f32 v10, $3.100000000e+01;
	v10 =	vtrunc.f32 v11;
	v11 =	vld [tilespmem:s4+$0x30]  }
0x49: {  	v20 =	vtrunc.f32 v7;
	v7 =	vmin.f32 v21, $3.100000000e+01;
	v21 =	vtrunc.f32 v17  }
0x4a: {  	v8 =	vld [tilespmem:s4+$0x10];
	v28 =	vcvt.f32.s32 v10;
	v10 =	vmin.f32 v19, $3.100000000e+01;
	v19 =	vtrunc.f32 v7  }
0x4b: {  	v7 =	vld [tilespmem:s4+$0xFFFFFFF0];
	v23 =	vtrunc.f32 v10;
	v32 =	vcvt.f32.s32 v20  }
0x4c: {  	v17 =	vld [tilespmem:s4+$0xFFFFFFE0];
	v33 =	vadd.f32 v33, v3;
	v37 =	vcvt.f32.s32 v21;
	v21 =	vmul.f32 v12, v2  }
0x4d: {  	v10 =	vld [tilespmem:s4+$0x20];
	v39 =	vcvt.f32.s32 v23;
	v20 =	vmul.f32 v11, v2  }
0x4e: {  	v44 =	vmax.f32 v33, $0.0e+00;
	v33 =	vld.idx.msk [tilespmem:v30+s17+$0x0], $0xffff  }
0x4f: {  	v34 =	vmul.f32 v8, v2;
	v29 =	vadd.f32 v21, v3;
	v21 =	vld.idx.msk [tilespmem:v30+s16+$0x0], $0xffff;
	v24 =	vadd.f32 v20, v3  }
0x50: {  	v22 =	vmul.f32 v22, v18;
	v18 =	vld [tilespmem:s4+$0xFFFFFFC0];
	v27 =	vmul.f32 v7, v2  }
0x51: {  	v26 =	vmul.f32 v17, v2;
	v20 =	vld.idx.msk [tilespmem:v28+s16+$0x0], $0xffff;
	v23 =	vmax.f32 v24, $0.0e+00  }
0x52: {  	v34 =	vadd.f32 v34, v3;
	v38 =	vadd.f32 v27, v3;
	v27 =	vld.idx.msk [tilespmem:v37+s16+$0x0], $0xffff;
	v24 =	vmin.f32 v23, $3.100000000e+01  }
0x53: {  	v42 =	vmax.f32 v29, $0.0e+00;
	v35 =	vadd.f32 v26, v3;
	v29 =	vld.idx.msk [tilespmem:v39+s16+$0x0], $0xffff;
	v26 =	vtrunc.f32 v24  }
0x54: {  	v36 =	vmul.f32 v10, v2;
	v42 =	vmin.f32 v42, $3.100000000e+01;
	v37 =	vld.idx.msk [tilespmem:v37+s17+$0x0], $0xffff;
	v41 =	vcvt.f32.s32 v26  }
0x55: {  	v19 =	vcvt.f32.s32 v19;
	v22 =	vadd.f32 v25, v22;
	v62 =	vtrunc.f32 v42;
	v23 =	vld.idx.msk [tilespmem:v31+s16+$0x0], $0xffff  }
0x56: {  	v36 =	vadd.f32 v36, v3;
	v40 =	vmul.f32 v18, v2;
	v43 =	vmax.f32 v35, $0.0e+00;
	v35 =	vld.idx.msk [tilespmem:v28+s17+$0x0], $0xffff  }
0x57: {  	v28 =	vmax.f32 v34, $0.0e+00;
	v34 =	vld.idx.msk [tilespmem:v31+s17+$0x0], $0xffff;
	v31 =	vmin.f32 v44, $3.100000000e+01;
	v38 =	vmax.f32 v38, $0.0e+00  }
0x58: {  	v39 =	vld.idx.msk [tilespmem:v39+s17+$0x0], $0xffff;
	v45 =	vmax.f32 v36, $0.0e+00;
	v30 =	vmin.f32 v43, $3.100000000e+01;
	v40 =	vadd.f32 v40, v3  }
0x59: {  	v24 =	vld.idx.msk [tilespmem:v32+s16+$0x0], $0xffff;
	v28 =	vmin.f32 v28, $3.100000000e+01;
	v31 =	vtrunc.f32 v31;
	v60 =	vmin.f32 v38, $3.100000000e+01  }
0x5a: {  	v46 =	vtrunc.f32 v30;
	v42 =	vtrunc.f32 v28;
	v59 =	vmax.f32 v40, $0.0e+00;
	v40 =	vld.idx.msk [tilespmem:v41+s16+$0x0], $0xffff  }
0x5b: {  	v36 =	vld.idx.msk [tilespmem:v32+s17+$0x0], $0xffff;
	v63 =	vmin.f32 v45, $3.100000000e+01;
	v28 =	vcvt.f32.s32 v62;
	v47 =	vtrunc.f32 v60  }
0x5c: {  	s31 =	simm.s32 $0x81C0;
	v43 =	vtrunc.f32 v63;
	v25 =	vcvt.f32.s32 v46;
	v61 =	vmin.f32 v59, $3.100000000e+01;
	v41 =	vld.idx.msk [tilespmem:v41+s17+$0x0], $0xffff  }
0x5d: {  	s28 =	sshll.u32 s26, $0xF;
	s30 =	simm.s32 $0x81C0;
	[tilespmem:s31+$0x30] =	vst v22;
	v26 =	vld.idx.msk [tilespmem:v19+s16+$0x0], $0xffff;
	v22 =	vcvt.f32.s32 v47;
	v38 =	vtrunc.f32 v61  }
0x5e: {  	s29 =	sor.u32 s7, s28;
	s1 =	simm.s32 $0x2C0;
	s4 =	simm.s32 $0x80;
	v30 =	vcvt.f32.s32 v38;
	v38 =	vld.idx.msk [tilespmem:v19+s17+$0x0], $0xffff;
	v19 =	vcvt.f32.s32 v31  }
.LBB2_3:
0x5f: {  	s4 =	sadd.s32 $0x80, s4;
	v31 =	vcvt.f32.s32 v42;
	v40 =	vmul.f32 v40, v11;
	v11 =	vld [tilespmem:s1+$0x30]  }
0x60: {  	v32 =	vcvt.f32.s32 v43;
	v20 =	vmul.f32 v20, v6;
	v6 =	vmov v18;
	v42 =	vld [tilespmem:s1+$0xFFFFFFD0];
	p1 =	slt.u32 s4, $0x3F80  }
0x61: {  	v21 =	vmul.f32 v21, v4;
	v23 =	vmul.f32 v23, v5;
	v4 =	vmovc v12;
	v43 =	vld [tilespmem:s1+$0xFFFFFFE0];
	v18 =	vadd.f32 v41, v40  }
0x62: {  	v13 =	vmul.f32 v24, v13;
	v15 =	vmul.f32 v27, v15;
	s31 =	sadd.s32 $0x80, s31;
	v5 =	vmovc v17;
	v12 =	vadd.f32 v35, v20;
	v40 =	vld [tilespmem:s1+$0xFFFFFFF0]  }
0x63: {  	v14 =	vmul.f32 v26, v14;
	v16 =	vmul.f32 v29, v16;
	v17 =	vadd.f32 v33, v21;
	v35 =	vld [tilespmem:s1+$0x0];
	[tilespmem:s31+$0x30] =	vst v18  }
0x64: {  	v27 =	vadd.f32 v34, v23;
	v13 =	vadd.f32 v36, v13;
	v33 =	vld [tilespmem:s1+$0x10];
	v20 =	vmul.f32 v11, v2;
	[tilespmem:s30+$0xFFFFFFC0] =	vst v12  }
0x65: {  	v15 =	vadd.f32 v37, v15;
	v14 =	vadd.f32 v38, v14;
	v21 =	vmul.f32 v42, v2;
	v34 =	vld [tilespmem:s1+$0x20];
	[tilespmem:s30+$0xFFFFFFD0] =	vst v17  }
0x66: {  	v16 =	vadd.f32 v39, v16;
	v18 =	vld [tilespmem:s1+$0xFFFFFFC0];
	v17 =	vmul.f32 v43, v2;
	v23 =	vadd.f32 v20, v3;
	[tilespmem:s30+$0xFFFFFFE0] =	vst v27  }
0x67: {  	v12 =	vmov v42;
	v26 =	vadd.f32 v21, v3;
	v24 =	vmul.f32 v40, v2;
	v20 =	vld.idx.msk [tilespmem:v30+s16+$0x0], $0xffff;
	[tilespmem:s30+$0xFFFFFFF0] =	vst v13  }
0x68: {  	v13 =	vadd.f32 v17, v3;
	v39 =	vmul.f32 v35, v2;
	v23 =	vmax.f32 v23, $0.0e+00;
	v21 =	vld.idx.msk [tilespmem:v28+s16+$0x0], $0xffff;
	[tilespmem:s30+$0x0] =	vst v15  }
0x69: {  	v15 =	vadd.f32 v24, v3;
	v27 =	vmul.f32 v33, v2;
	v24 =	vmin.f32 v23, $3.100000000e+01;
	v23 =	vld.idx.msk [tilespmem:v25+s16+$0x0], $0xffff;
	[tilespmem:s30+$0x10] =	vst v14  }
0x6a: {  	v14 =	vadd.f32 v39, v3;
	v29 =	vmul.f32 v34, v2;
	v38 =	vtrunc.f32 v24;
	v24 =	vld.idx.msk [tilespmem:v22+s16+$0x0], $0xffff;
	[tilespmem:s30+$0x20] =	vst v16;
	s30 =	smov.u32 s31  }
0x6b: {  	v17 =	vmovc v43;
	v16 =	vmul.f32 v18, v2;
	v36 =	vadd.f32 v27, v3;
	v37 =	vcvt.f32.s32 v38;
	v27 =	vld.idx.msk [tilespmem:v19+s16+$0x0], $0xffff  }
0x6c: {  	v39 =	vmax.f32 v13, $0.0e+00;
	v38 =	vmax.f32 v26, $0.0e+00;
	v41 =	vadd.f32 v29, v3;
	v26 =	vld.idx.msk [tilespmem:v31+s16+$0x0], $0xffff;
	v13 =	vmovc v7;
	v7 =	vmovc v40  }
0x6d: {  	v40 =	vmax.f32 v15, $0.0e+00;
	v42 =	vmax.f32 v14, $0.0e+00;
	v44 =	vadd.f32 v16, v3;
	v29 =	vld.idx.msk [tilespmem:v32+s16+$0x0], $0xffff;
	v15 =	vmovc v9;
	v9 =	vmovc v35  }
0x6e: {  	v38 =	vmin.f32 v38, $3.100000000e+01;
	v36 =	vmax.f32 v36, $0.0e+00;
	v41 =	vmax.f32 v41, $0.0e+00;
	v35 =	vld.idx.msk [tilespmem:v30+s17+$0x0], $0xffff;
	v14 =	vmovc v8;
	v8 =	vmovc v33  }
0x6f: {  	v39 =	vmin.f32 v39, $3.100000000e+01;
	v43 =	vmin.f32 v40, $3.100000000e+01;
	v30 =	vmax.f32 v44, $0.0e+00;
	v33 =	vld.idx.msk [tilespmem:v28+s17+$0x0], $0xffff;
	v16 =	vmovc v10;
	v10 =	vmovc v34  }
0x70: {  	v28 =	vmin.f32 v30, $3.100000000e+01;
	v30 =	vmin.f32 v42, $3.100000000e+01;
	v42 =	vmin.f32 v36, $3.100000000e+01;
	v34 =	vld.idx.msk [tilespmem:v25+s17+$0x0], $0xffff  }
0x71: {  	v25 =	vtrunc.f32 v28;
	v28 =	vtrunc.f32 v38;
	v38 =	vmin.f32 v41, $3.100000000e+01;
	v40 =	vld.idx.msk [tilespmem:v37+s16+$0x0], $0xffff  }
.Ltmp2:
0x72: {  	v39 =	vtrunc.f32 v39;
	v44 =	vtrunc.f32 v43;
	v36 =	vld.idx.msk [tilespmem:v22+s17+$0x0], $0xffff;
	(pc) =	sbr.rel @p1 .LBB2_3-.Ltmp2, $4  }
0x73: {  	v45 =	vtrunc.f32 v30;
	v42 =	vtrunc.f32 v42;
	v41 =	vld.idx.msk [tilespmem:v37+s17+$0x0], $0xffff  }
0x74: {  	v30 =	vcvt.f32.s32 v25;
	v43 =	vtrunc.f32 v38;
	v37 =	vld.idx.msk [tilespmem:v19+s17+$0x0], $0xffff  }
0x75: {  	v28 =	vcvt.f32.s32 v28;
	v25 =	vcvt.f32.s32 v39;
	v38 =	vld.idx.msk [tilespmem:v31+s17+$0x0], $0xffff  }
0x76: {  	s1 =	sadd.s32 $0x80, s1;
	v22 =	vcvt.f32.s32 v44;
	v19 =	vcvt.f32.s32 v45;
	v39 =	vld.idx.msk [tilespmem:v32+s17+$0x0], $0xffff  }
0x77: {  	_ =	sdelay $0x3  }
0x78: {  	v50 =	vld.idx.msk [tilespmem:v30+s16+$0x0], $0xffff  }
0x79: {  	v51 =	vld.idx.msk [tilespmem:v28+s16+$0x0], $0xffff  }
0x7a: {  	v11 =	vmul.f32 v40, v11;
	v52 =	vld.idx.msk [tilespmem:v25+s16+$0x0], $0xffff  }
0x7b: {  	v6 =	vmul.f32 v20, v6;
	v57 =	vld.idx.msk [tilespmem:v30+s17+$0x0], $0xffff  }
0x7c: {  	v31 =	vcvt.f32.s32 v42;
	v4 =	vmul.f32 v21, v4;
	v53 =	vld.idx.msk [tilespmem:v22+s16+$0x0], $0xffff;
	v11 =	vadd.f32 v41, v11  }
0x7d: {  	v32 =	vcvt.f32.s32 v43;
	v5 =	vmul.f32 v23, v5;
	s1 =	sadd.s32 $0x80, s31;
	v54 =	vld.idx.msk [tilespmem:v19+s16+$0x0], $0xffff;
	v6 =	vadd.f32 v35, v6  }
0x7e: {  	v13 =	vmul.f32 v24, v13;
	v58 =	vld.idx.msk [tilespmem:v22+s17+$0x0], $0xffff;
	v4 =	vadd.f32 v33, v4;
	[tilespmem:s1+$0x30] =	vst v11  }
0x7f: {  	v15 =	vmul.f32 v27, v15;
	v59 =	vld.idx.msk [tilespmem:v19+s17+$0x0], $0xffff;
	v5 =	vadd.f32 v34, v5;
	[tilespmem:s30+$0xFFFFFFC0] =	vst v6  }
0x80: {  	v14 =	vmul.f32 v26, v14;
	v13 =	vadd.f32 v36, v13;
	[tilespmem:s30+$0xFFFFFFD0] =	vst v4;
	v4 =	vld.idx.msk [tilespmem:v28+s17+$0x0], $0xffff  }
0x81: {  	v16 =	vmul.f32 v29, v16;
	v15 =	vadd.f32 v37, v15;
	[tilespmem:s30+$0xFFFFFFE0] =	vst v5;
	v5 =	vld.idx.msk [tilespmem:v25+s17+$0x0], $0xffff  }
0x82: {  	v14 =	vadd.f32 v38, v14;
	[tilespmem:s30+$0xFFFFFFF0] =	vst v13;
	v18 =	vmul.f32 v50, v18;
	v55 =	vld.idx.msk [tilespmem:v31+s16+$0x0], $0xffff  }
0x83: {  	v16 =	vadd.f32 v39, v16;
	[tilespmem:s30+$0x0] =	vst v15;
	v56 =	vld.idx.msk [tilespmem:v32+s16+$0x0], $0xffff;
	v7 =	vmul.f32 v53, v7  }
0x84: {  	v12 =	vmul.f32 v51, v12;
	[tilespmem:s30+$0x10] =	vst v14;
	v60 =	vld.idx.msk [tilespmem:v31+s17+$0x0], $0xffff;
	v6 =	vadd.f32 v57, v18  }
0x85: {  	v17 =	vmul.f32 v52, v17;
	[tilespmem:s30+$0x20] =	vst v16;
	v61 =	vld.idx.msk [tilespmem:v32+s17+$0x0], $0xffff;
	v7 =	vadd.f32 v58, v7  }
0x86: {  	v9 =	vmul.f32 v54, v9;
	v4 =	vadd.f32 v4, v12;
	[tilespmem:s1+$0xFFFFFFC0] =	vst v6  }
0x87: {  	v5 =	vadd.f32 v5, v17;
	[tilespmem:s1+$0xFFFFFFF0] =	vst v7;
	v62 =	vmul.f32 v55, v8  }
0x88: {  	p1 =	sne.s32 s26, $0x7;
	v63 =	vadd.f32 v59, v9;
	[tilespmem:s1+$0xFFFFFFD0] =	vst v4;
	v4 =	vmul.f32 v56, v10  }
.Ltmp3:
0x89: {  	[tilespmem:s1+$0xFFFFFFE0] =	vst v5;
	v5 =	vadd.f32 v60, v62;
	(pc) =	sbr.rel @p1 .LBB2_6-.Ltmp3, $4  }
0x8a: {  	[tilespmem:s1+$0x0] =	vst v63;
	v4 =	vadd.f32 v61, v4  }
0x8b: {  	s29 =	sshrl.u32 s29, $0x3;
	[tilespmem:s1+$0x10] =	vst v5  }
0x8c: {  	s31 =	sadd.s32 s6, s29;
	[tilespmem:s1+$0x20] =	vst v4  }
0x8d: {  	[hbm4b:s31+s8] =	stream.linear.scatter [tilespmem:s20], [sflag:$0x3], $0x4000, $0x38;
	[tilespmem:$0x10180] =	vst v63  }
.Ltmp4:
0x8e: {  	(pc) =	sbr.rel .LBB2_7-.Ltmp4, $4  }
0x8f: {  	_ = 	snop  }
0x90: {  	_ =	swait.ge [sflag:s21], $0x4000  }
0x91: {  	[sflag:s21] =	ssyncset.done $0x0  }
0x92: {  	[sflag:s21] =	ssyncadd.s32 $0xFFFFC000  }
.LBB2_6:
0x93: {  	s1 =	sadd.s32 s28, s11  }
0x94: {  	s1 =	sshrl.u32 s1, $0x3  }
.Ltmp5:
0x95: {  	s1 =	sadd.s32 s0, s1;
	(pc) =	sbr.rel @p0 .LBB2_8-.Ltmp5, $4  }
0x96: {  	[tilespmem:s14], [sflag:$0x1] =	stream.linear.gather [hbm4b:s1+s8], $0x4000, $0x38;
	[tilespmem:$0x10180] =	vst v63  }
0x97: {  	_ =	swait.ge [sflag:s21], $0x4000  }
0x98: {  	[sflag:s21] =	ssyncset.done $0x0  }
0x99: {  	[sflag:s21] =	ssyncadd.s32 $0xFFFFC000  }
.LBB2_7:
0x9a: {  	_ =	swait.ge [sflag:s22], $0x4000  }
0x9b: {  	[sflag:s22] =	ssyncset.done $0x0  }
0x9c: {  	[sflag:s22] =	ssyncadd.s32 $0xFFFFC000  }
.LBB2_8:
0x9d: {  	s1 =	simm.s32 $0x41C0  }
0x9e: {  	v18 =	vld [tilespmem:s1+$0x30];
	_ =	sdelay $0x1  }
0x9f: {  	v4 =	vld [tilespmem:s1+$0xFFFFFFD0]  }
0xa0: {  	v5 =	vld [tilespmem:s1+$0xFFFFFFE0]  }
0xa1: {  	v13 =	vld [tilespmem:s1+$0xFFFFFFF0]  }
0xa2: {  	v15 =	vld [tilespmem:s1+$0x0];
	v6 =	vmul.f32 v18, v2  }
0xa3: {  	v14 =	vld [tilespmem:s1+$0x10]  }
0xa4: {  	v16 =	vld [tilespmem:s1+$0x20];
	v7 =	vadd.f32 v6, v3  }
0xa5: {  	v9 =	vmul.f32 v5, v2  }
0xa6: {  	v8 =	vmul.f32 v4, v2;
	v10 =	vmul.f32 v13, v2;
	v6 =	vld [tilespmem:s1+$0xFFFFFFC0];
	v7 =	vmax.f32 v7, $0.0e+00  }
0xa7: {  	v11 =	vmul.f32 v15, v2;
	v9 =	vadd.f32 v9, v3;
	v7 =	vmin.f32 v7, $3.100000000e+01  }
0xa8: {  	v12 =	vmul.f32 v14, v2;
	v7 =	vtrunc.f32 v7  }
0xa9: {  	v19 =	vmul.f32 v16, v2;
	v9 =	vmax.f32 v9, $0.0e+00;
	v7 =	vcvt.f32.s32 v7  }
0xaa: {  	v8 =	vadd.f32 v8, v3;
	v10 =	vadd.f32 v10, v3;
	v9 =	vmin.f32 v9, $3.100000000e+01  }
0xab: {  	s4 =	simm.s32 $0x4240;
	v11 =	vadd.f32 v11, v3;
	v9 =	vtrunc.f32 v9;
	v17 =	vmul.f32 v6, v2  }
0xac: {  	v12 =	vadd.f32 v12, v3;
	v19 =	vadd.f32 v19, v3;
	v31 =	vcvt.f32.s32 v9;
	v9 =	vld [tilespmem:s4+$0x0]  }
0xad: {  	v8 =	vmax.f32 v8, $0.0e+00;
	v10 =	vmax.f32 v10, $0.0e+00;
	v17 =	vadd.f32 v17, v3  }
0xae: {  	v20 =	vmax.f32 v11, $0.0e+00;
	v21 =	vmax.f32 v12, $0.0e+00;
	v12 =	vld [tilespmem:s4+$0xFFFFFFD0];
	v8 =	vmin.f32 v8, $3.100000000e+01  }
0xaf: {  	v19 =	vmax.f32 v19, $0.0e+00;
	v8 =	vtrunc.f32 v8;
	v11 =	vmax.f32 v17, $0.0e+00;
	v22 =	vld.idx.msk [tilespmem:v7+s16+$0x0], $0xffff  }
0xb0: {  	v29 =	vcvt.f32.s32 v8;
	v17 =	vmin.f32 v20, $3.100000000e+01;
	v11 =	vmin.f32 v11, $3.100000000e+01;
	v23 =	vld.idx.msk [tilespmem:v7+s17+$0x0], $0xffff  }
0xb1: {  	v33 =	vmul.f32 v9, v2;
	v7 =	vmin.f32 v10, $3.100000000e+01;
	v10 =	vtrunc.f32 v11;
	v11 =	vld [tilespmem:s4+$0x30]  }
0xb2: {  	v20 =	vtrunc.f32 v7;
	v7 =	vmin.f32 v21, $3.100000000e+01;
	v21 =	vtrunc.f32 v17  }
0xb3: {  	v8 =	vld [tilespmem:s4+$0x10];
	v28 =	vcvt.f32.s32 v10;
	v10 =	vmin.f32 v19, $3.100000000e+01;
	v19 =	vtrunc.f32 v7  }
0xb4: {  	v7 =	vld [tilespmem:s4+$0xFFFFFFF0];
	v24 =	vtrunc.f32 v10;
	v32 =	vcvt.f32.s32 v20  }
0xb5: {  	v17 =	vld [tilespmem:s4+$0xFFFFFFE0];
	v33 =	vadd.f32 v33, v3;
	v37 =	vcvt.f32.s32 v21;
	v21 =	vmul.f32 v12, v2  }
0xb6: {  	v10 =	vld [tilespmem:s4+$0x20];
	v39 =	vcvt.f32.s32 v24;
	v20 =	vmul.f32 v11, v2  }
0xb7: {  	v44 =	vmax.f32 v33, $0.0e+00;
	v33 =	vld.idx.msk [tilespmem:v29+s17+$0x0], $0xffff  }
0xb8: {  	v34 =	vmul.f32 v8, v2;
	v30 =	vadd.f32 v21, v3;
	v21 =	vld.idx.msk [tilespmem:v29+s16+$0x0], $0xffff;
	v25 =	vadd.f32 v20, v3  }
0xb9: {  	v22 =	vmul.f32 v22, v18;
	v18 =	vld [tilespmem:s4+$0xFFFFFFC0];
	v27 =	vmul.f32 v7, v2  }
0xba: {  	v26 =	vmul.f32 v17, v2;
	v20 =	vld.idx.msk [tilespmem:v28+s16+$0x0], $0xffff;
	v24 =	vmax.f32 v25, $0.0e+00  }
0xbb: {  	v34 =	vadd.f32 v34, v3;
	v38 =	vadd.f32 v27, v3;
	v27 =	vld.idx.msk [tilespmem:v37+s16+$0x0], $0xffff;
	v25 =	vmin.f32 v24, $3.100000000e+01  }
0xbc: {  	v42 =	vmax.f32 v30, $0.0e+00;
	v35 =	vadd.f32 v26, v3;
	v30 =	vld.idx.msk [tilespmem:v39+s16+$0x0], $0xffff;
	v26 =	vtrunc.f32 v25  }
0xbd: {  	v36 =	vmul.f32 v10, v2;
	v42 =	vmin.f32 v42, $3.100000000e+01;
	v37 =	vld.idx.msk [tilespmem:v37+s17+$0x0], $0xffff;
	v41 =	vcvt.f32.s32 v26  }
0xbe: {  	v19 =	vcvt.f32.s32 v19;
	v22 =	vadd.f32 v23, v22;
	v62 =	vtrunc.f32 v42;
	v24 =	vld.idx.msk [tilespmem:v31+s16+$0x0], $0xffff  }
0xbf: {  	v36 =	vadd.f32 v36, v3;
	v40 =	vmul.f32 v18, v2;
	v43 =	vmax.f32 v35, $0.0e+00;
	v35 =	vld.idx.msk [tilespmem:v28+s17+$0x0], $0xffff  }
0xc0: {  	v28 =	vmax.f32 v34, $0.0e+00;
	v34 =	vld.idx.msk [tilespmem:v31+s17+$0x0], $0xffff;
	v31 =	vmin.f32 v44, $3.100000000e+01;
	v38 =	vmax.f32 v38, $0.0e+00  }
0xc1: {  	v39 =	vld.idx.msk [tilespmem:v39+s17+$0x0], $0xffff;
	v45 =	vmax.f32 v36, $0.0e+00;
	v29 =	vmin.f32 v43, $3.100000000e+01;
	v40 =	vadd.f32 v40, v3  }
0xc2: {  	v25 =	vld.idx.msk [tilespmem:v32+s16+$0x0], $0xffff;
	v28 =	vmin.f32 v28, $3.100000000e+01;
	v31 =	vtrunc.f32 v31;
	v60 =	vmin.f32 v38, $3.100000000e+01  }
0xc3: {  	v46 =	vtrunc.f32 v29;
	v42 =	vtrunc.f32 v28;
	v59 =	vmax.f32 v40, $0.0e+00;
	v40 =	vld.idx.msk [tilespmem:v41+s16+$0x0], $0xffff  }
0xc4: {  	v36 =	vld.idx.msk [tilespmem:v32+s17+$0x0], $0xffff;
	v63 =	vmin.f32 v45, $3.100000000e+01;
	v28 =	vcvt.f32.s32 v62;
	v47 =	vtrunc.f32 v60  }
0xc5: {  	s31 =	simm.s32 $0xC1C0;
	v43 =	vtrunc.f32 v63;
	v23 =	vcvt.f32.s32 v46;
	v61 =	vmin.f32 v59, $3.100000000e+01;
	v41 =	vld.idx.msk [tilespmem:v41+s17+$0x0], $0xffff  }
0xc6: {  	[tilespmem:s31+$0x30] =	vst v22;
	v26 =	vld.idx.msk [tilespmem:v19+s16+$0x0], $0xffff;
	v22 =	vcvt.f32.s32 v47;
	v38 =	vtrunc.f32 v61  }
0xc7: {  	s30 =	simm.s32 $0xC1C0;
	s1 =	simm.s32 $0x42C0;
	s4 =	simm.s32 $0x80;
	v29 =	vcvt.f32.s32 v38;
	v38 =	vld.idx.msk [tilespmem:v19+s17+$0x0], $0xffff;
	v19 =	vcvt.f32.s32 v31  }
.LBB2_9:
0xc8: {  	s4 =	sadd.s32 $0x80, s4;
	v31 =	vcvt.f32.s32 v42;
	v40 =	vmul.f32 v40, v11;
	v11 =	vld [tilespmem:s1+$0x30]  }
0xc9: {  	v32 =	vcvt.f32.s32 v43;
	v20 =	vmul.f32 v20, v6;
	v6 =	vmov v18;
	v42 =	vld [tilespmem:s1+$0xFFFFFFD0];
	p0 =	slt.u32 s4, $0x3F80  }
0xca: {  	v21 =	vmul.f32 v21, v4;
	v24 =	vmul.f32 v24, v5;
	v4 =	vmovc v12;
	v43 =	vld [tilespmem:s1+$0xFFFFFFE0];
	v18 =	vadd.f32 v41, v40  }
0xcb: {  	v13 =	vmul.f32 v25, v13;
	v15 =	vmul.f32 v27, v15;
	s31 =	sadd.s32 $0x80, s31;
	v5 =	vmovc v17;
	v12 =	vadd.f32 v35, v20;
	v40 =	vld [tilespmem:s1+$0xFFFFFFF0]  }
0xcc: {  	v14 =	vmul.f32 v26, v14;
	v16 =	vmul.f32 v30, v16;
	v17 =	vadd.f32 v33, v21;
	v35 =	vld [tilespmem:s1+$0x0];
	[tilespmem:s31+$0x30] =	vst v18  }
0xcd: {  	v27 =	vadd.f32 v34, v24;
	v13 =	vadd.f32 v36, v13;
	v33 =	vld [tilespmem:s1+$0x10];
	v20 =	vmul.f32 v11, v2;
	[tilespmem:s30+$0xFFFFFFC0] =	vst v12  }
0xce: {  	v15 =	vadd.f32 v37, v15;
	v14 =	vadd.f32 v38, v14;
	v21 =	vmul.f32 v42, v2;
	v34 =	vld [tilespmem:s1+$0x20];
	[tilespmem:s30+$0xFFFFFFD0] =	vst v17  }
0xcf: {  	v16 =	vadd.f32 v39, v16;
	v18 =	vld [tilespmem:s1+$0xFFFFFFC0];
	v17 =	vmul.f32 v43, v2;
	v24 =	vadd.f32 v20, v3;
	[tilespmem:s30+$0xFFFFFFE0] =	vst v27  }
0xd0: {  	v12 =	vmov v42;
	v26 =	vadd.f32 v21, v3;
	v25 =	vmul.f32 v40, v2;
	v20 =	vld.idx.msk [tilespmem:v29+s16+$0x0], $0xffff;
	[tilespmem:s30+$0xFFFFFFF0] =	vst v13  }
0xd1: {  	v13 =	vadd.f32 v17, v3;
	v39 =	vmul.f32 v35, v2;
	v24 =	vmax.f32 v24, $0.0e+00;
	v21 =	vld.idx.msk [tilespmem:v28+s16+$0x0], $0xffff;
	[tilespmem:s30+$0x0] =	vst v15  }
0xd2: {  	v15 =	vadd.f32 v25, v3;
	v27 =	vmul.f32 v33, v2;
	v25 =	vmin.f32 v24, $3.100000000e+01;
	v24 =	vld.idx.msk [tilespmem:v23+s16+$0x0], $0xffff;
	[tilespmem:s30+$0x10] =	vst v14  }
0xd3: {  	v14 =	vadd.f32 v39, v3;
	v30 =	vmul.f32 v34, v2;
	v38 =	vtrunc.f32 v25;
	v25 =	vld.idx.msk [tilespmem:v22+s16+$0x0], $0xffff;
	[tilespmem:s30+$0x20] =	vst v16;
	s30 =	smov.u32 s31  }
0xd4: {  	v17 =	vmovc v43;
	v16 =	vmul.f32 v18, v2;
	v36 =	vadd.f32 v27, v3;
	v37 =	vcvt.f32.s32 v38;
	v27 =	vld.idx.msk [tilespmem:v19+s16+$0x0], $0xffff  }
0xd5: {  	v39 =	vmax.f32 v13, $0.0e+00;
	v38 =	vmax.f32 v26, $0.0e+00;
	v41 =	vadd.f32 v30, v3;
	v26 =	vld.idx.msk [tilespmem:v31+s16+$0x0], $0xffff;
	v13 =	vmovc v7;
	v7 =	vmovc v40  }
0xd6: {  	v40 =	vmax.f32 v15, $0.0e+00;
	v42 =	vmax.f32 v14, $0.0e+00;
	v44 =	vadd.f32 v16, v3;
	v30 =	vld.idx.msk [tilespmem:v32+s16+$0x0], $0xffff;
	v15 =	vmovc v9;
	v9 =	vmovc v35  }
0xd7: {  	v38 =	vmin.f32 v38, $3.100000000e+01;
	v36 =	vmax.f32 v36, $0.0e+00;
	v41 =	vmax.f32 v41, $0.0e+00;
	v35 =	vld.idx.msk [tilespmem:v29+s17+$0x0], $0xffff;
	v14 =	vmovc v8;
	v8 =	vmovc v33  }
0xd8: {  	v39 =	vmin.f32 v39, $3.100000000e+01;
	v43 =	vmin.f32 v40, $3.100000000e+01;
	v29 =	vmax.f32 v44, $0.0e+00;
	v33 =	vld.idx.msk [tilespmem:v28+s17+$0x0], $0xffff;
	v16 =	vmovc v10;
	v10 =	vmovc v34  }
0xd9: {  	v28 =	vmin.f32 v29, $3.100000000e+01;
	v29 =	vmin.f32 v42, $3.100000000e+01;
	v42 =	vmin.f32 v36, $3.100000000e+01;
	v34 =	vld.idx.msk [tilespmem:v23+s17+$0x0], $0xffff  }
0xda: {  	v23 =	vtrunc.f32 v28;
	v28 =	vtrunc.f32 v38;
	v38 =	vmin.f32 v41, $3.100000000e+01;
	v40 =	vld.idx.msk [tilespmem:v37+s16+$0x0], $0xffff  }
.Ltmp6:
0xdb: {  	v39 =	vtrunc.f32 v39;
	v44 =	vtrunc.f32 v43;
	v36 =	vld.idx.msk [tilespmem:v22+s17+$0x0], $0xffff;
	(pc) =	sbr.rel @p0 .LBB2_9-.Ltmp6, $4  }
0xdc: {  	v45 =	vtrunc.f32 v29;
	v42 =	vtrunc.f32 v42;
	v41 =	vld.idx.msk [tilespmem:v37+s17+$0x0], $0xffff  }
0xdd: {  	v29 =	vcvt.f32.s32 v23;
	v43 =	vtrunc.f32 v38;
	v37 =	vld.idx.msk [tilespmem:v19+s17+$0x0], $0xffff  }
0xde: {  	v28 =	vcvt.f32.s32 v28;
	v23 =	vcvt.f32.s32 v39;
	v38 =	vld.idx.msk [tilespmem:v31+s17+$0x0], $0xffff  }
0xdf: {  	s1 =	sadd.s32 $0x80, s1;
	v22 =	vcvt.f32.s32 v44;
	v19 =	vcvt.f32.s32 v45;
	v39 =	vld.idx.msk [tilespmem:v32+s17+$0x0], $0xffff  }
0xe0: {  	_ =	sdelay $0x3  }
0xe1: {  	v50 =	vld.idx.msk [tilespmem:v29+s16+$0x0], $0xffff  }
0xe2: {  	v51 =	vld.idx.msk [tilespmem:v28+s16+$0x0], $0xffff  }
0xe3: {  	v11 =	vmul.f32 v40, v11;
	v52 =	vld.idx.msk [tilespmem:v23+s16+$0x0], $0xffff  }
0xe4: {  	v6 =	vmul.f32 v20, v6;
	v57 =	vld.idx.msk [tilespmem:v29+s17+$0x0], $0xffff  }
0xe5: {  	v31 =	vcvt.f32.s32 v42;
	v4 =	vmul.f32 v21, v4;
	v53 =	vld.idx.msk [tilespmem:v22+s16+$0x0], $0xffff;
	v11 =	vadd.f32 v41, v11  }
0xe6: {  	v32 =	vcvt.f32.s32 v43;
	v5 =	vmul.f32 v24, v5;
	s1 =	sadd.s32 $0x80, s31;
	v54 =	vld.idx.msk [tilespmem:v19+s16+$0x0], $0xffff;
	v6 =	vadd.f32 v35, v6  }
0xe7: {  	v13 =	vmul.f32 v25, v13;
	v58 =	vld.idx.msk [tilespmem:v22+s17+$0x0], $0xffff;
	v4 =	vadd.f32 v33, v4;
	[tilespmem:s1+$0x30] =	vst v11  }
0xe8: {  	v15 =	vmul.f32 v27, v15;
	v59 =	vld.idx.msk [tilespmem:v19+s17+$0x0], $0xffff;
	v5 =	vadd.f32 v34, v5;
	[tilespmem:s30+$0xFFFFFFC0] =	vst v6  }
0xe9: {  	v14 =	vmul.f32 v26, v14;
	v13 =	vadd.f32 v36, v13;
	[tilespmem:s30+$0xFFFFFFD0] =	vst v4;
	v4 =	vld.idx.msk [tilespmem:v28+s17+$0x0], $0xffff  }
0xea: {  	v16 =	vmul.f32 v30, v16;
	v15 =	vadd.f32 v37, v15;
	[tilespmem:s30+$0xFFFFFFE0] =	vst v5;
	v5 =	vld.idx.msk [tilespmem:v23+s17+$0x0], $0xffff  }
0xeb: {  	v14 =	vadd.f32 v38, v14;
	[tilespmem:s30+$0xFFFFFFF0] =	vst v13;
	v18 =	vmul.f32 v50, v18;
	v55 =	vld.idx.msk [tilespmem:v31+s16+$0x0], $0xffff  }
0xec: {  	v16 =	vadd.f32 v39, v16;
	[tilespmem:s30+$0x0] =	vst v15;
	v56 =	vld.idx.msk [tilespmem:v32+s16+$0x0], $0xffff;
	v7 =	vmul.f32 v53, v7  }
0xed: {  	v12 =	vmul.f32 v51, v12;
	[tilespmem:s30+$0x10] =	vst v14;
	v60 =	vld.idx.msk [tilespmem:v31+s17+$0x0], $0xffff;
	v6 =	vadd.f32 v57, v18  }
0xee: {  	v17 =	vmul.f32 v52, v17;
	[tilespmem:s30+$0x20] =	vst v16;
	v61 =	vld.idx.msk [tilespmem:v32+s17+$0x0], $0xffff;
	v7 =	vadd.f32 v58, v7  }
0xef: {  	v9 =	vmul.f32 v54, v9;
	v4 =	vadd.f32 v4, v12;
	[tilespmem:s1+$0xFFFFFFC0] =	vst v6  }
0xf0: {  	v5 =	vadd.f32 v5, v17;
	[tilespmem:s1+$0xFFFFFFF0] =	vst v7;
	v62 =	vmul.f32 v55, v8  }
0xf1: {  	p0 =	seq.s32 s26, $0x7;
	v63 =	vadd.f32 v59, v9;
	[tilespmem:s1+$0xFFFFFFD0] =	vst v4;
	v4 =	vmul.f32 v56, v10  }
.Ltmp7:
0xf2: {  	[tilespmem:s1+$0xFFFFFFE0] =	vst v5;
	v5 =	vadd.f32 v60, v62;
	(pc) =	sbr.rel @p0 .LBB2_12-.Ltmp7, $4  }
0xf3: {  	[tilespmem:s1+$0x0] =	vst v63;
	v4 =	vadd.f32 v61, v4  }
0xf4: {  	s4 =	sadd.s32 s29, s6;
	[tilespmem:s1+$0x10] =	vst v5  }
0xf5: {  	s31 =	sadd.s32 $0x800, s4;
	[tilespmem:s1+$0x20] =	vst v4  }
0xf6: {  	[hbm4b:s31+s8] =	stream.linear.scatter [tilespmem:s23], [sflag:$0x4], $0x4000, $0x38;
	[tilespmem:$0x10180] =	vst v63  }
.Ltmp8:
0xf7: {  	(pc) =	sbr.rel .LBB2_2-.Ltmp8, $4  }
0xf8: {  	s1 =	sadd.s32 s28, s12  }
0xf9: {  	s1 =	sshrl.u32 s1, $0x3  }
0xfa: {  	s26 =	sadd.s32 $0x1, s26;
	s1 =	sadd.s32 s0, s1  }
0xfb: {  	[tilespmem:s15], [sflag:$0x2] =	stream.linear.gather [hbm4b:s1+s8], $0x4000, $0x38;
	[tilespmem:$0x10180] =	vst v63  }
.LBB2_13:
0xfc: {  	_ =	sfence.sel $0x180000  }
0xfd: {  	[bflag:$0x0] =	sbarrier.arrive $0xFFFF  }
0xfe: {  	_ =	strace $0x90000047  }
0xff: {  	s0 =	stileid.u32;
	[bflag:$0x2] =	sbarrier.arrive $0xFFFF  }
0x100: {  	p0 =	sne.s32 s0, $0x0;
	s0 =	rddreg [dreg:$0x5]  }
0x101: {  	s0 =	sadd.s32 @!p0 $0x100000, s0  }
0x102: {  	[sflag:s0] =	ssyncadd.tile.s32 @!p0 $0x1;
	_ =	shalt  }
.Lfunc_end2:
_tile_overlayer_lowered:
.L_overlay_start_2:
0x103: {  	(tag) =	ssettag $0x2  }
0x104: {  	s0 =	rddreg [dreg:$0x0];
	s2 =	stileid.u32  }
0x105: {  	s1 =	rddreg [dreg:$0x1];
	p0 =	sne.s32 s2, $0x0  }
0x106: {  	s3 =	rddreg [dreg:$0x2];
	[bflag:$0x3] =	sbarrier.arrive $0xFFFF;
	s2 =	simm.s32 @!p0 $0x1C06  }
0x107: {  	[timem:s3], [sflag:s2] =	dma.local @!p0 [hbm:s0], s1  }
0x108: {  	s0 =	simm.s32 @!p0 $0x6  }
0x109: {  	_ =	swait.ge @!p0 [sflag:s0], s1  }
0x10a: {  	s1 =	ssub.s32 @!p0 $0x0, s1;
	[sflag:s0] =	ssyncset.done @!p0 $0x0  }
0x10b: {  	[sflag:s0] =	ssyncadd.s32 @!p0 s1  }
0x10c: {  	[bflag:$0x3] =	sbarrier.arrive $0xFFFF  }
0x10d: {  	_ =	shalt  }

</sc_bundles>
